<compile_context>
chip_gen: v7x
topology: tpu7x:2x2x1
jax: 0.10.2.dev20260603
libtpu: 0.0.44.dev20260713+nightly
codegen_flags: <defaults>
</compile_context>

<pallas_src>
import functools

import jax
import jax.numpy as jnp
from jax import lax
from jax.experimental import pallas as pl
from jax.experimental.pallas import tpu as pltpu
from jax.experimental.pallas import tpu_sc as plsc

_NUM_CORES = 2
_NUM_SUBCORES = 16
_NUM_WORKERS = _NUM_CORES * _NUM_SUBCORES
_CHUNK = 128


@functools.lru_cache(maxsize=None)
def _make_gather(V, B, D):
    b_per_w = B // _NUM_WORKERS
    n_chunks = b_per_w // _CHUNK
    mesh = plsc.VectorSubcoreMesh(core_axis_name="c", subcore_axis_name="s")

    @functools.partial(
        pl.kernel,
        mesh=mesh,
        out_type=jax.ShapeDtypeStruct((B, D), jnp.float32),
        scratch_types=[
            pltpu.VMEM((n_chunks, _CHUNK), jnp.int32),
            pltpu.VMEM((b_per_w, D), jnp.float32),
            pltpu.VMEM_SHARED((V, D), jnp.float32),
            pltpu.SemaphoreType.DMA((n_chunks,)),
            pltpu.SemaphoreType.DMA,
        ],
        compiler_params=pltpu.CompilerParams(use_tc_tiling_on_sc=False),
    )
    def gather(table_hbm, idx_hbm, out_hbm, idx_v, rows_v, table_sp, gsem, wsem):
        sid = lax.axis_index("s")
        wid = sid * _NUM_CORES + lax.axis_index("c")
        base = wid * b_per_w
        @pl.when(sid == 0)
        def _():
            pltpu.sync_copy(table_hbm, table_sp)
        pltpu.sync_copy(idx_hbm.at[pl.ds(wid * n_chunks, n_chunks)], idx_v)
        plsc.subcore_barrier()
        copies = [
            pltpu.async_copy(
                table_sp.at[idx_v.at[c]],
                rows_v.at[pl.ds(c * _CHUNK, _CHUNK)],
                gsem.at[c],
            )
            for c in range(n_chunks)
        ]
        writes = []
        for c in range(n_chunks):
            copies[c].wait()
            writes.append(
                pltpu.async_copy(
                    rows_v.at[pl.ds(c * _CHUNK, _CHUNK)],
                    out_hbm.at[pl.ds(base + c * _CHUNK, _CHUNK)],
                    wsem,
                )
            )
        for w in writes:
            w.wait()

    return gather


def kernel(x, embedding_weights):
    V, D = embedding_weights.shape
    B = x.shape[1]
    idx2d = x.reshape(B // _CHUNK, _CHUNK)
    return _make_gather(V, B, D)(embedding_weights, idx2d)

# --- scband reference (transcript-rebuilt; emitter-appended) ---
"""Pipeline reference for scband-custom-embedding-73770358276324 (READ-ONLY COPY).

The authoritative reference and input builder live on the scoring server;
editing this copy changes nothing except your own understanding.
"""

import jax, jax.numpy as jnp
import numpy as np

VOCAB = 1000
DIM = 64
NUM_LOOKUPS = 16384


def setup_inputs(seed: int = 0) -> dict:
    key = jax.random.key(seed)
    k1, k2 = jax.random.split(key)
    x = jax.random.randint(k1, (1, NUM_LOOKUPS), 0, VOCAB, dtype=jnp.int32)
    embedding_weights = jax.random.normal(k2, (VOCAB, DIM), dtype=jnp.float32)
    return {"x": x, "embedding_weights": embedding_weights}


def reference(x, embedding_weights):
    # Original torch module: for each index xx in x[0], look up the single-row
    # embedding weights[xx] at position 0 and concatenate along dim 0.
    # Equivalent to a plain row-gather from the stacked table.
    idx = x[0]
    return jnp.take(embedding_weights, idx, axis=0)

if __name__ == "__main__":
    import jax
    _d = setup_inputs()
    print(jax.jit(kernel)(*tuple(_d.values())))

</pallas_src>

<mosaic_0001>
#map = affine_map<(d0, d1) -> (0, 0)>
module attributes {stable_mosaic.version = 14 : i64} {
  func.func @gather(%arg0: i32, %arg1: i32, %arg2: memref<1000x64xf32, #tpu.memory_space<hbm>>, %arg3: memref<128x128xi32, #tpu.memory_space<hbm>>, %arg4: memref<16384x64xf32, #tpu.memory_space<hbm>>, %arg5: memref<4x128xi32, #tpu.memory_space<vmem>>, %arg6: memref<512x64xf32, #tpu.memory_space<vmem>>, %arg7: memref<1000x64xf32, #tpu.memory_space<vmem_shared>>, %arg8: memref<4x!tpu.dma_semaphore, #tpu.memory_space<semaphore_mem>>, %arg9: memref<!tpu.dma_semaphore, #tpu.memory_space<semaphore_mem>>) attributes {dimension_semantics = [#tpu.dimension_semantics<core_parallel>, #tpu.dimension_semantics<subcore_parallel>], iteration_bounds = array<i64: 2, 16>, scalar_prefetch = 0 : i64, scratch_operands = 5 : i64, tpu.core_type = #tpu.core_type<sc_vector_subcore>, window_params = [{transform_indices = #map}, {transform_indices = #map}, {transform_indices = #map}]} {
    %mul3A = arith.constant 2 : i32
    %mul3A_0 = arith.muli %arg1, %mul3A : i32
    %add3A = arith.addi %mul3A_0, %arg0 : i32
    %mul3A_1 = arith.constant 512 : i32
    %mul3A_2 = arith.muli %add3A, %mul3A_1 : i32
    %eq3A = arith.constant 0 : i32
    %eq3A_3 = arith.cmpi eq, %arg1, %eq3A : i32
    %convert_element_type3A = arith.extui %eq3A_3 : i1 to i32
    %cond3A = arith.constant 0 : i32
    %cond3A_4 = arith.cmpi ne, %convert_element_type3A, %cond3A : i32
    scf.if %cond3A_4 {
      "tpu.region"() ({
        %run_scoped3A = tpu.sem_alloc : memref<!tpu.dma_semaphore, #tpu.memory_space<semaphore_mem>>
        tpu.enqueue_dma source(%arg2 : memref<1000x64xf32, #tpu.memory_space<hbm>>) target(%arg7 : memref<1000x64xf32, #tpu.memory_space<vmem_shared>>) target_semaphore(%run_scoped3A : memref<!tpu.dma_semaphore, #tpu.memory_space<semaphore_mem>>)
        tpu.wait_dma2 semaphore(%run_scoped3A : memref<!tpu.dma_semaphore, #tpu.memory_space<semaphore_mem>>) src(%arg2 : memref<1000x64xf32, #tpu.memory_space<hbm>>) dst(%arg7 : memref<1000x64xf32, #tpu.memory_space<vmem_shared>>)
        tpu.yield
      }) : () -> ()
    } else {
    }
    %mul3A_5 = arith.constant 4 : i32
    %mul3A_6 = arith.muli %add3A, %mul3A_5 : i32
    "tpu.region"() ({
      %run_scoped3A = tpu.sem_alloc : memref<!tpu.dma_semaphore, #tpu.memory_space<semaphore_mem>>
      %dma_start3A_197 = arith.constant 0 : i32
      %dma_start3A_198 = tpu.memref_slice %arg3[%mul3A_6, %dma_start3A_197] : memref<128x128xi32, #tpu.memory_space<hbm>> -> memref<4x128xi32, #tpu.memory_space<hbm>>
      %dma_start3A_199 = arith.constant 0 : i32
      %dma_start3A_200 = tpu.memref_slice %arg3[%mul3A_6, %dma_start3A_199] : memref<128x128xi32, #tpu.memory_space<hbm>> -> memref<4x128xi32, #tpu.memory_space<hbm>>
      tpu.enqueue_dma source(%dma_start3A_200 : memref<4x128xi32, #tpu.memory_space<hbm>>) target(%arg5 : memref<4x128xi32, #tpu.memory_space<vmem>>) target_semaphore(%run_scoped3A : memref<!tpu.dma_semaphore, #tpu.memory_space<semaphore_mem>>)
      %dma_wait3A_201 = arith.constant 0 : i32
      %dma_wait3A_202 = tpu.memref_slice %arg3[%mul3A_6, %dma_wait3A_201] : memref<128x128xi32, #tpu.memory_space<hbm>> -> memref<4x128xi32, #tpu.memory_space<hbm>>
      %dma_wait3A_203 = arith.constant 0 : i32
      %dma_wait3A_204 = tpu.memref_slice %arg3[%mul3A_6, %dma_wait3A_203] : memref<128x128xi32, #tpu.memory_space<hbm>> -> memref<4x128xi32, #tpu.memory_space<hbm>>
      tpu.wait_dma2 semaphore(%run_scoped3A : memref<!tpu.dma_semaphore, #tpu.memory_space<semaphore_mem>>) src(%dma_wait3A_204 : memref<4x128xi32, #tpu.memory_space<hbm>>) dst(%arg5 : memref<4x128xi32, #tpu.memory_space<vmem>>)
      tpu.yield
    }) : () -> ()
    %barrier3A = arith.constant 0 : index
    tpu.barrier barrier_id(%barrier3A)
    %dma_start3A = arith.constant 0 : i32
    %dma_start3A_7 = arith.constant 0 : i32
    %dma_start3A_8 = arith.constant 0 : i32
    %dma_start3A_9 = arith.constant 0 : i32
    %dma_start3A_10 = tpu.memref_slice %arg6[%dma_start3A_8, %dma_start3A_9] : memref<512x64xf32, #tpu.memory_space<vmem>> -> memref<128x64xf32, #tpu.memory_space<vmem>>
    %dma_start3A_11 = arith.constant 0 : i32
    %dma_start3A_12 = tpu.memref_slice %arg5[%dma_start3A, %dma_start3A_11] : memref<4x128xi32, #tpu.memory_space<vmem>> -> memref<1x128xi32, #tpu.memory_space<vmem>>
    %dma_start3A_13 = tpu.memref_squeeze %dma_start3A_12 : memref<1x128xi32, #tpu.memory_space<vmem>> -> memref<128xi32, #tpu.memory_space<vmem>>
    %dma_start3A_14 = arith.constant 0 : i32
    %dma_start3A_15 = arith.constant 0 : i32
    %dma_start3A_16 = tpu.memref_slice %arg7[%dma_start3A_14, %dma_start3A_15] : memref<1000x64xf32, #tpu.memory_space<vmem_shared>> -> memref<1000x64xf32, #tpu.memory_space<vmem_shared>>
    %dma_start3A_17 = tpu.memref_slice %arg8[%dma_start3A_7] : memref<4x!tpu.dma_semaphore, #tpu.memory_space<semaphore_mem>> -> memref<1x!tpu.dma_semaphore, #tpu.memory_space<semaphore_mem>>
    %dma_start3A_18 = tpu.memref_squeeze %dma_start3A_17 : memref<1x!tpu.dma_semaphore, #tpu.memory_space<semaphore_mem>> -> memref<!tpu.dma_semaphore, #tpu.memory_space<semaphore_mem>>
    tpu.enqueue_indirect_dma source(%dma_start3A_16 : memref<1000x64xf32, #tpu.memory_space<vmem_shared>>) target(%dma_start3A_10 : memref<128x64xf32, #tpu.memory_space<vmem>>) offsets(%dma_start3A_13 : memref<128xi32, #tpu.memory_space<vmem>>) semaphore(%dma_start3A_18 : memref<!tpu.dma_semaphore, #tpu.memory_space<semaphore_mem>>)
    %dma_start3A_19 = arith.constant 1 : i32
    %dma_start3A_20 = arith.constant 1 : i32
    %dma_start3A_21 = arith.constant 128 : i32
    %dma_start3A_22 = arith.constant 0 : i32
    %dma_start3A_23 = tpu.memref_slice %arg6[%dma_start3A_21, %dma_start3A_22] : memref<512x64xf32, #tpu.memory_space<vmem>> -> memref<128x64xf32, #tpu.memory_space<vmem>>
    %dma_start3A_24 = arith.constant 0 : i32
    %dma_start3A_25 = tpu.memref_slice %arg5[%dma_start3A_19, %dma_start3A_24] : memref<4x128xi32, #tpu.memory_space<vmem>> -> memref<1x128xi32, #tpu.memory_space<vmem>>
    %dma_start3A_26 = tpu.memref_squeeze %dma_start3A_25 : memref<1x128xi32, #tpu.memory_space<vmem>> -> memref<128xi32, #tpu.memory_space<vmem>>
    %dma_start3A_27 = arith.constant 0 : i32
    %dma_start3A_28 = arith.constant 0 : i32
    %dma_start3A_29 = tpu.memref_slice %arg7[%dma_start3A_27, %dma_start3A_28] : memref<1000x64xf32, #tpu.memory_space<vmem_shared>> -> memref<1000x64xf32, #tpu.memory_space<vmem_shared>>
    %dma_start3A_30 = tpu.memref_slice %arg8[%dma_start3A_20] : memref<4x!tpu.dma_semaphore, #tpu.memory_space<semaphore_mem>> -> memref<1x!tpu.dma_semaphore, #tpu.memory_space<semaphore_mem>>
    %dma_start3A_31 = tpu.memref_squeeze %dma_start3A_30 : memref<1x!tpu.dma_semaphore, #tpu.memory_space<semaphore_mem>> -> memref<!tpu.dma_semaphore, #tpu.memory_space<semaphore_mem>>
    tpu.enqueue_indirect_dma source(%dma_start3A_29 : memref<1000x64xf32, #tpu.memory_space<vmem_shared>>) target(%dma_start3A_23 : memref<128x64xf32, #tpu.memory_space<vmem>>) offsets(%dma_start3A_26 : memref<128xi32, #tpu.memory_space<vmem>>) semaphore(%dma_start3A_31 : memref<!tpu.dma_semaphore, #tpu.memory_space<semaphore_mem>>)
    %dma_start3A_32 = arith.constant 2 : i32
    %dma_start3A_33 = arith.constant 2 : i32
    %dma_start3A_34 = arith.constant 256 : i32
    %dma_start3A_35 = arith.constant 0 : i32
    %dma_start3A_36 = tpu.memref_slice %arg6[%dma_start3A_34, %dma_start3A_35] : memref<512x64xf32, #tpu.memory_space<vmem>> -> memref<128x64xf32, #tpu.memory_space<vmem>>
    %dma_start3A_37 = arith.constant 0 : i32
    %dma_start3A_38 = tpu.memref_slice %arg5[%dma_start3A_32, %dma_start3A_37] : memref<4x128xi32, #tpu.memory_space<vmem>> -> memref<1x128xi32, #tpu.memory_space<vmem>>
    %dma_start3A_39 = tpu.memref_squeeze %dma_start3A_38 : memref<1x128xi32, #tpu.memory_space<vmem>> -> memref<128xi32, #tpu.memory_space<vmem>>
    %dma_start3A_40 = arith.constant 0 : i32
    %dma_start3A_41 = arith.constant 0 : i32
    %dma_start3A_42 = tpu.memref_slice %arg7[%dma_start3A_40, %dma_start3A_41] : memref<1000x64xf32, #tpu.memory_space<vmem_shared>> -> memref<1000x64xf32, #tpu.memory_space<vmem_shared>>
    %dma_start3A_43 = tpu.memref_slice %arg8[%dma_start3A_33] : memref<4x!tpu.dma_semaphore, #tpu.memory_space<semaphore_mem>> -> memref<1x!tpu.dma_semaphore, #tpu.memory_space<semaphore_mem>>
    %dma_start3A_44 = tpu.memref_squeeze %dma_start3A_43 : memref<1x!tpu.dma_semaphore, #tpu.memory_space<semaphore_mem>> -> memref<!tpu.dma_semaphore, #tpu.memory_space<semaphore_mem>>
    tpu.enqueue_indirect_dma source(%dma_start3A_42 : memref<1000x64xf32, #tpu.memory_space<vmem_shared>>) target(%dma_start3A_36 : memref<128x64xf32, #tpu.memory_space<vmem>>) offsets(%dma_start3A_39 : memref<128xi32, #tpu.memory_space<vmem>>) semaphore(%dma_start3A_44 : memref<!tpu.dma_semaphore, #tpu.memory_space<semaphore_mem>>)
    %dma_start3A_45 = arith.constant 3 : i32
    %dma_start3A_46 = arith.constant 3 : i32
    %dma_start3A_47 = arith.constant 384 : i32
    %dma_start3A_48 = arith.constant 0 : i32
    %dma_start3A_49 = tpu.memref_slice %arg6[%dma_start3A_47, %dma_start3A_48] : memref<512x64xf32, #tpu.memory_space<vmem>> -> memref<128x64xf32, #tpu.memory_space<vmem>>
    %dma_start3A_50 = arith.constant 0 : i32
    %dma_start3A_51 = tpu.memref_slice %arg5[%dma_start3A_45, %dma_start3A_50] : memref<4x128xi32, #tpu.memory_space<vmem>> -> memref<1x128xi32, #tpu.memory_space<vmem>>
    %dma_start3A_52 = tpu.memref_squeeze %dma_start3A_51 : memref<1x128xi32, #tpu.memory_space<vmem>> -> memref<128xi32, #tpu.memory_space<vmem>>
    %dma_start3A_53 = arith.constant 0 : i32
    %dma_start3A_54 = arith.constant 0 : i32
    %dma_start3A_55 = tpu.memref_slice %arg7[%dma_start3A_53, %dma_start3A_54] : memref<1000x64xf32, #tpu.memory_space<vmem_shared>> -> memref<1000x64xf32, #tpu.memory_space<vmem_shared>>
    %dma_start3A_56 = tpu.memref_slice %arg8[%dma_start3A_46] : memref<4x!tpu.dma_semaphore, #tpu.memory_space<semaphore_mem>> -> memref<1x!tpu.dma_semaphore, #tpu.memory_space<semaphore_mem>>
    %dma_start3A_57 = tpu.memref_squeeze %dma_start3A_56 : memref<1x!tpu.dma_semaphore, #tpu.memory_space<semaphore_mem>> -> memref<!tpu.dma_semaphore, #tpu.memory_space<semaphore_mem>>
    tpu.enqueue_indirect_dma source(%dma_start3A_55 : memref<1000x64xf32, #tpu.memory_space<vmem_shared>>) target(%dma_start3A_49 : memref<128x64xf32, #tpu.memory_space<vmem>>) offsets(%dma_start3A_52 : memref<128xi32, #tpu.memory_space<vmem>>) semaphore(%dma_start3A_57 : memref<!tpu.dma_semaphore, #tpu.memory_space<semaphore_mem>>)
    %dma_wait3A = arith.constant 0 : i32
    %dma_wait3A_58 = arith.constant 0 : i32
    %dma_wait3A_59 = arith.constant 0 : i32
    %dma_wait3A_60 = arith.constant 0 : i32
    %dma_wait3A_61 = tpu.memref_slice %arg6[%dma_wait3A_59, %dma_wait3A_60] : memref<512x64xf32, #tpu.memory_space<vmem>> -> memref<128x64xf32, #tpu.memory_space<vmem>>
    %dma_wait3A_62 = arith.constant 0 : i32
    %dma_wait3A_63 = tpu.memref_slice %arg5[%dma_wait3A, %dma_wait3A_62] : memref<4x128xi32, #tpu.memory_space<vmem>> -> memref<1x128xi32, #tpu.memory_space<vmem>>
    %dma_wait3A_64 = tpu.memref_squeeze %dma_wait3A_63 : memref<1x128xi32, #tpu.memory_space<vmem>> -> memref<128xi32, #tpu.memory_space<vmem>>
    %dma_wait3A_65 = arith.constant 0 : i32
    %dma_wait3A_66 = arith.constant 0 : i32
    %dma_wait3A_67 = tpu.memref_slice %arg7[%dma_wait3A_65, %dma_wait3A_66] : memref<1000x64xf32, #tpu.memory_space<vmem_shared>> -> memref<1000x64xf32, #tpu.memory_space<vmem_shared>>
    %dma_wait3A_68 = tpu.memref_slice %arg8[%dma_wait3A_58] : memref<4x!tpu.dma_semaphore, #tpu.memory_space<semaphore_mem>> -> memref<1x!tpu.dma_semaphore, #tpu.memory_space<semaphore_mem>>
    %dma_wait3A_69 = tpu.memref_squeeze %dma_wait3A_68 : memref<1x!tpu.dma_semaphore, #tpu.memory_space<semaphore_mem>> -> memref<!tpu.dma_semaphore, #tpu.memory_space<semaphore_mem>>
    tpu.wait_indirect_dma semaphore(%dma_wait3A_69 : memref<!tpu.dma_semaphore, #tpu.memory_space<semaphore_mem>>) src(%dma_wait3A_67 : memref<1000x64xf32, #tpu.memory_space<vmem_shared>>) dst(%dma_wait3A_61 : memref<128x64xf32, #tpu.memory_space<vmem>>)
    %add3A_70 = arith.constant 0 : i32
    %add3A_71 = arith.addi %mul3A_2, %add3A_70 : i32
    %dma_start3A_72 = arith.constant 0 : i32
    %dma_start3A_73 = arith.constant 0 : i32
    %dma_start3A_74 = tpu.memref_slice %arg6[%dma_start3A_72, %dma_start3A_73] : memref<512x64xf32, #tpu.memory_space<vmem>> -> memref<128x64xf32, #tpu.memory_space<vmem>>
    %dma_start3A_75 = arith.constant 0 : i32
    %dma_start3A_76 = tpu.memref_slice %arg4[%add3A_71, %dma_start3A_75] : memref<16384x64xf32, #tpu.memory_space<hbm>> -> memref<128x64xf32, #tpu.memory_space<hbm>>
    %dma_start3A_77 = arith.constant 0 : i32
    %dma_start3A_78 = tpu.memref_slice %arg4[%add3A_71, %dma_start3A_77] : memref<16384x64xf32, #tpu.memory_space<hbm>> -> memref<128x64xf32, #tpu.memory_space<hbm>>
    %dma_start3A_79 = arith.constant 0 : i32
    %dma_start3A_80 = arith.constant 0 : i32
    %dma_start3A_81 = tpu.memref_slice %arg6[%dma_start3A_79, %dma_start3A_80] : memref<512x64xf32, #tpu.memory_space<vmem>> -> memref<128x64xf32, #tpu.memory_space<vmem>>
    tpu.enqueue_dma source(%dma_start3A_81 : memref<128x64xf32, #tpu.memory_space<vmem>>) target(%dma_start3A_78 : memref<128x64xf32, #tpu.memory_space<hbm>>) target_semaphore(%arg9 : memref<!tpu.dma_semaphore, #tpu.memory_space<semaphore_mem>>)
    %dma_wait3A_82 = arith.constant 1 : i32
    %dma_wait3A_83 = arith.constant 1 : i32
    %dma_wait3A_84 = arith.constant 128 : i32
    %dma_wait3A_85 = arith.constant 0 : i32
    %dma_wait3A_86 = tpu.memref_slice %arg6[%dma_wait3A_84, %dma_wait3A_85] : memref<512x64xf32, #tpu.memory_space<vmem>> -> memref<128x64xf32, #tpu.memory_space<vmem>>
    %dma_wait3A_87 = arith.constant 0 : i32
    %dma_wait3A_88 = tpu.memref_slice %arg5[%dma_wait3A_82, %dma_wait3A_87] : memref<4x128xi32, #tpu.memory_space<vmem>> -> memref<1x128xi32, #tpu.memory_space<vmem>>
    %dma_wait3A_89 = tpu.memref_squeeze %dma_wait3A_88 : memref<1x128xi32, #tpu.memory_space<vmem>> -> memref<128xi32, #tpu.memory_space<vmem>>
    %dma_wait3A_90 = arith.constant 0 : i32
    %dma_wait3A_91 = arith.constant 0 : i32
    %dma_wait3A_92 = tpu.memref_slice %arg7[%dma_wait3A_90, %dma_wait3A_91] : memref<1000x64xf32, #tpu.memory_space<vmem_shared>> -> memref<1000x64xf32, #tpu.memory_space<vmem_shared>>
    %dma_wait3A_93 = tpu.memref_slice %arg8[%dma_wait3A_83] : memref<4x!tpu.dma_semaphore, #tpu.memory_space<semaphore_mem>> -> memref<1x!tpu.dma_semaphore, #tpu.memory_space<semaphore_mem>>
    %dma_wait3A_94 = tpu.memref_squeeze %dma_wait3A_93 : memref<1x!tpu.dma_semaphore, #tpu.memory_space<semaphore_mem>> -> memref<!tpu.dma_semaphore, #tpu.memory_space<semaphore_mem>>
    tpu.wait_indirect_dma semaphore(%dma_wait3A_94 : memref<!tpu.dma_semaphore, #tpu.memory_space<semaphore_mem>>) src(%dma_wait3A_92 : memref<1000x64xf32, #tpu.memory_space<vmem_shared>>) dst(%dma_wait3A_86 : memref<128x64xf32, #tpu.memory_space<vmem>>)
    %add3A_95 = arith.constant 128 : i32
    %add3A_96 = arith.addi %mul3A_2, %add3A_95 : i32
    %dma_start3A_97 = arith.constant 128 : i32
    %dma_start3A_98 = arith.constant 0 : i32
    %dma_start3A_99 = tpu.memref_slice %arg6[%dma_start3A_97, %dma_start3A_98] : memref<512x64xf32, #tpu.memory_space<vmem>> -> memref<128x64xf32, #tpu.memory_space<vmem>>
    %dma_start3A_100 = arith.constant 0 : i32
    %dma_start3A_101 = tpu.memref_slice %arg4[%add3A_96, %dma_start3A_100] : memref<16384x64xf32, #tpu.memory_space<hbm>> -> memref<128x64xf32, #tpu.memory_space<hbm>>
    %dma_start3A_102 = arith.constant 0 : i32
    %dma_start3A_103 = tpu.memref_slice %arg4[%add3A_96, %dma_start3A_102] : memref<16384x64xf32, #tpu.memory_space<hbm>> -> memref<128x64xf32, #tpu.memory_space<hbm>>
    %dma_start3A_104 = arith.constant 128 : i32
    %dma_start3A_105 = arith.constant 0 : i32
    %dma_start3A_106 = tpu.memref_slice %arg6[%dma_start3A_104, %dma_start3A_105] : memref<512x64xf32, #tpu.memory_space<vmem>> -> memref<128x64xf32, #tpu.memory_space<vmem>>
    tpu.enqueue_dma source(%dma_start3A_106 : memref<128x64xf32, #tpu.memory_space<vmem>>) target(%dma_start3A_103 : memref<128x64xf32, #tpu.memory_space<hbm>>) target_semaphore(%arg9 : memref<!tpu.dma_semaphore, #tpu.memory_space<semaphore_mem>>)
    %dma_wait3A_107 = arith.constant 2 : i32
    %dma_wait3A_108 = arith.constant 2 : i32
    %dma_wait3A_109 = arith.constant 256 : i32
    %dma_wait3A_110 = arith.constant 0 : i32
    %dma_wait3A_111 = tpu.memref_slice %arg6[%dma_wait3A_109, %dma_wait3A_110] : memref<512x64xf32, #tpu.memory_space<vmem>> -> memref<128x64xf32, #tpu.memory_space<vmem>>
    %dma_wait3A_112 = arith.constant 0 : i32
    %dma_wait3A_113 = tpu.memref_slice %arg5[%dma_wait3A_107, %dma_wait3A_112] : memref<4x128xi32, #tpu.memory_space<vmem>> -> memref<1x128xi32, #tpu.memory_space<vmem>>
    %dma_wait3A_114 = tpu.memref_squeeze %dma_wait3A_113 : memref<1x128xi32, #tpu.memory_space<vmem>> -> memref<128xi32, #tpu.memory_space<vmem>>
    %dma_wait3A_115 = arith.constant 0 : i32
    %dma_wait3A_116 = arith.constant 0 : i32
    %dma_wait3A_117 = tpu.memref_slice %arg7[%dma_wait3A_115, %dma_wait3A_116] : memref<1000x64xf32, #tpu.memory_space<vmem_shared>> -> memref<1000x64xf32, #tpu.memory_space<vmem_shared>>
    %dma_wait3A_118 = tpu.memref_slice %arg8[%dma_wait3A_108] : memref<4x!tpu.dma_semaphore, #tpu.memory_space<semaphore_mem>> -> memref<1x!tpu.dma_semaphore, #tpu.memory_space<semaphore_mem>>
    %dma_wait3A_119 = tpu.memref_squeeze %dma_wait3A_118 : memref<1x!tpu.dma_semaphore, #tpu.memory_space<semaphore_mem>> -> memref<!tpu.dma_semaphore, #tpu.memory_space<semaphore_mem>>
    tpu.wait_indirect_dma semaphore(%dma_wait3A_119 : memref<!tpu.dma_semaphore, #tpu.memory_space<semaphore_mem>>) src(%dma_wait3A_117 : memref<1000x64xf32, #tpu.memory_space<vmem_shared>>) dst(%dma_wait3A_111 : memref<128x64xf32, #tpu.memory_space<vmem>>)
    %add3A_120 = arith.constant 256 : i32
    %add3A_121 = arith.addi %mul3A_2, %add3A_120 : i32
    %dma_start3A_122 = arith.constant 256 : i32
    %dma_start3A_123 = arith.constant 0 : i32
    %dma_start3A_124 = tpu.memref_slice %arg6[%dma_start3A_122, %dma_start3A_123] : memref<512x64xf32, #tpu.memory_space<vmem>> -> memref<128x64xf32, #tpu.memory_space<vmem>>
    %dma_start3A_125 = arith.constant 0 : i32
    %dma_start3A_126 = tpu.memref_slice %arg4[%add3A_121, %dma_start3A_125] : memref<16384x64xf32, #tpu.memory_space<hbm>> -> memref<128x64xf32, #tpu.memory_space<hbm>>
    %dma_start3A_127 = arith.constant 0 : i32
    %dma_start3A_128 = tpu.memref_slice %arg4[%add3A_121, %dma_start3A_127] : memref<16384x64xf32, #tpu.memory_space<hbm>> -> memref<128x64xf32, #tpu.memory_space<hbm>>
    %dma_start3A_129 = arith.constant 256 : i32
    %dma_start3A_130 = arith.constant 0 : i32
    %dma_start3A_131 = tpu.memref_slice %arg6[%dma_start3A_129, %dma_start3A_130] : memref<512x64xf32, #tpu.memory_space<vmem>> -> memref<128x64xf32, #tpu.memory_space<vmem>>
    tpu.enqueue_dma source(%dma_start3A_131 : memref<128x64xf32, #tpu.memory_space<vmem>>) target(%dma_start3A_128 : memref<128x64xf32, #tpu.memory_space<hbm>>) target_semaphore(%arg9 : memref<!tpu.dma_semaphore, #tpu.memory_space<semaphore_mem>>)
    %dma_wait3A_132 = arith.constant 3 : i32
    %dma_wait3A_133 = arith.constant 3 : i32
    %dma_wait3A_134 = arith.constant 384 : i32
    %dma_wait3A_135 = arith.constant 0 : i32
    %dma_wait3A_136 = tpu.memref_slice %arg6[%dma_wait3A_134, %dma_wait3A_135] : memref<512x64xf32, #tpu.memory_space<vmem>> -> memref<128x64xf32, #tpu.memory_space<vmem>>
    %dma_wait3A_137 = arith.constant 0 : i32
    %dma_wait3A_138 = tpu.memref_slice %arg5[%dma_wait3A_132, %dma_wait3A_137] : memref<4x128xi32, #tpu.memory_space<vmem>> -> memref<1x128xi32, #tpu.memory_space<vmem>>
    %dma_wait3A_139 = tpu.memref_squeeze %dma_wait3A_138 : memref<1x128xi32, #tpu.memory_space<vmem>> -> memref<128xi32, #tpu.memory_space<vmem>>
    %dma_wait3A_140 = arith.constant 0 : i32
    %dma_wait3A_141 = arith.constant 0 : i32
    %dma_wait3A_142 = tpu.memref_slice %arg7[%dma_wait3A_140, %dma_wait3A_141] : memref<1000x64xf32, #tpu.memory_space<vmem_shared>> -> memref<1000x64xf32, #tpu.memory_space<vmem_shared>>
    %dma_wait3A_143 = tpu.memref_slice %arg8[%dma_wait3A_133] : memref<4x!tpu.dma_semaphore, #tpu.memory_space<semaphore_mem>> -> memref<1x!tpu.dma_semaphore, #tpu.memory_space<semaphore_mem>>
    %dma_wait3A_144 = tpu.memref_squeeze %dma_wait3A_143 : memref<1x!tpu.dma_semaphore, #tpu.memory_space<semaphore_mem>> -> memref<!tpu.dma_semaphore, #tpu.memory_space<semaphore_mem>>
    tpu.wait_indirect_dma semaphore(%dma_wait3A_144 : memref<!tpu.dma_semaphore, #tpu.memory_space<semaphore_mem>>) src(%dma_wait3A_142 : memref<1000x64xf32, #tpu.memory_space<vmem_shared>>) dst(%dma_wait3A_136 : memref<128x64xf32, #tpu.memory_space<vmem>>)
    %add3A_145 = arith.constant 384 : i32
    %add3A_146 = arith.addi %mul3A_2, %add3A_145 : i32
    %dma_start3A_147 = arith.constant 384 : i32
    %dma_start3A_148 = arith.constant 0 : i32
    %dma_start3A_149 = tpu.memref_slice %arg6[%dma_start3A_147, %dma_start3A_148] : memref<512x64xf32, #tpu.memory_space<vmem>> -> memref<128x64xf32, #tpu.memory_space<vmem>>
    %dma_start3A_150 = arith.constant 0 : i32
    %dma_start3A_151 = tpu.memref_slice %arg4[%add3A_146, %dma_start3A_150] : memref<16384x64xf32, #tpu.memory_space<hbm>> -> memref<128x64xf32, #tpu.memory_space<hbm>>
    %dma_start3A_152 = arith.constant 0 : i32
    %dma_start3A_153 = tpu.memref_slice %arg4[%add3A_146, %dma_start3A_152] : memref<16384x64xf32, #tpu.memory_space<hbm>> -> memref<128x64xf32, #tpu.memory_space<hbm>>
    %dma_start3A_154 = arith.constant 384 : i32
    %dma_start3A_155 = arith.constant 0 : i32
    %dma_start3A_156 = tpu.memref_slice %arg6[%dma_start3A_154, %dma_start3A_155] : memref<512x64xf32, #tpu.memory_space<vmem>> -> memref<128x64xf32, #tpu.memory_space<vmem>>
    tpu.enqueue_dma source(%dma_start3A_156 : memref<128x64xf32, #tpu.memory_space<vmem>>) target(%dma_start3A_153 : memref<128x64xf32, #tpu.memory_space<hbm>>) target_semaphore(%arg9 : memref<!tpu.dma_semaphore, #tpu.memory_space<semaphore_mem>>)
    %dma_wait3A_157 = arith.constant 0 : i32
    %dma_wait3A_158 = arith.constant 0 : i32
    %dma_wait3A_159 = tpu.memref_slice %arg6[%dma_wait3A_157, %dma_wait3A_158] : memref<512x64xf32, #tpu.memory_space<vmem>> -> memref<128x64xf32, #tpu.memory_space<vmem>>
    %dma_wait3A_160 = arith.constant 0 : i32
    %dma_wait3A_161 = tpu.memref_slice %arg4[%add3A_71, %dma_wait3A_160] : memref<16384x64xf32, #tpu.memory_space<hbm>> -> memref<128x64xf32, #tpu.memory_space<hbm>>
    %dma_wait3A_162 = arith.constant 0 : i32
    %dma_wait3A_163 = tpu.memref_slice %arg4[%add3A_71, %dma_wait3A_162] : memref<16384x64xf32, #tpu.memory_space<hbm>> -> memref<128x64xf32, #tpu.memory_space<hbm>>
    %dma_wait3A_164 = arith.constant 0 : i32
    %dma_wait3A_165 = arith.constant 0 : i32
    %dma_wait3A_166 = tpu.memref_slice %arg6[%dma_wait3A_164, %dma_wait3A_165] : memref<512x64xf32, #tpu.memory_space<vmem>> -> memref<128x64xf32, #tpu.memory_space<vmem>>
    tpu.wait_dma2 semaphore(%arg9 : memref<!tpu.dma_semaphore, #tpu.memory_space<semaphore_mem>>) src(%dma_wait3A_166 : memref<128x64xf32, #tpu.memory_space<vmem>>) dst(%dma_wait3A_163 : memref<128x64xf32, #tpu.memory_space<hbm>>)
    %dma_wait3A_167 = arith.constant 128 : i32
    %dma_wait3A_168 = arith.constant 0 : i32
    %dma_wait3A_169 = tpu.memref_slice %arg6[%dma_wait3A_167, %dma_wait3A_168] : memref<512x64xf32, #tpu.memory_space<vmem>> -> memref<128x64xf32, #tpu.memory_space<vmem>>
    %dma_wait3A_170 = arith.constant 0 : i32
    %dma_wait3A_171 = tpu.memref_slice %arg4[%add3A_96, %dma_wait3A_170] : memref<16384x64xf32, #tpu.memory_space<hbm>> -> memref<128x64xf32, #tpu.memory_space<hbm>>
    %dma_wait3A_172 = arith.constant 0 : i32
    %dma_wait3A_173 = tpu.memref_slice %arg4[%add3A_96, %dma_wait3A_172] : memref<16384x64xf32, #tpu.memory_space<hbm>> -> memref<128x64xf32, #tpu.memory_space<hbm>>
    %dma_wait3A_174 = arith.constant 128 : i32
    %dma_wait3A_175 = arith.constant 0 : i32
    %dma_wait3A_176 = tpu.memref_slice %arg6[%dma_wait3A_174, %dma_wait3A_175] : memref<512x64xf32, #tpu.memory_space<vmem>> -> memref<128x64xf32, #tpu.memory_space<vmem>>
    tpu.wait_dma2 semaphore(%arg9 : memref<!tpu.dma_semaphore, #tpu.memory_space<semaphore_mem>>) src(%dma_wait3A_176 : memref<128x64xf32, #tpu.memory_space<vmem>>) dst(%dma_wait3A_173 : memref<128x64xf32, #tpu.memory_space<hbm>>)
    %dma_wait3A_177 = arith.constant 256 : i32
    %dma_wait3A_178 = arith.constant 0 : i32
    %dma_wait3A_179 = tpu.memref_slice %arg6[%dma_wait3A_177, %dma_wait3A_178] : memref<512x64xf32, #tpu.memory_space<vmem>> -> memref<128x64xf32, #tpu.memory_space<vmem>>
    %dma_wait3A_180 = arith.constant 0 : i32
    %dma_wait3A_181 = tpu.memref_slice %arg4[%add3A_121, %dma_wait3A_180] : memref<16384x64xf32, #tpu.memory_space<hbm>> -> memref<128x64xf32, #tpu.memory_space<hbm>>
    %dma_wait3A_182 = arith.constant 0 : i32
    %dma_wait3A_183 = tpu.memref_slice %arg4[%add3A_121, %dma_wait3A_182] : memref<16384x64xf32, #tpu.memory_space<hbm>> -> memref<128x64xf32, #tpu.memory_space<hbm>>
    %dma_wait3A_184 = arith.constant 256 : i32
    %dma_wait3A_185 = arith.constant 0 : i32
    %dma_wait3A_186 = tpu.memref_slice %arg6[%dma_wait3A_184, %dma_wait3A_185] : memref<512x64xf32, #tpu.memory_space<vmem>> -> memref<128x64xf32, #tpu.memory_space<vmem>>
    tpu.wait_dma2 semaphore(%arg9 : memref<!tpu.dma_semaphore, #tpu.memory_space<semaphore_mem>>) src(%dma_wait3A_186 : memref<128x64xf32, #tpu.memory_space<vmem>>) dst(%dma_wait3A_183 : memref<128x64xf32, #tpu.memory_space<hbm>>)
    %dma_wait3A_187 = arith.constant 384 : i32
    %dma_wait3A_188 = arith.constant 0 : i32
    %dma_wait3A_189 = tpu.memref_slice %arg6[%dma_wait3A_187, %dma_wait3A_188] : memref<512x64xf32, #tpu.memory_space<vmem>> -> memref<128x64xf32, #tpu.memory_space<vmem>>
    %dma_wait3A_190 = arith.constant 0 : i32
    %dma_wait3A_191 = tpu.memref_slice %arg4[%add3A_146, %dma_wait3A_190] : memref<16384x64xf32, #tpu.memory_space<hbm>> -> memref<128x64xf32, #tpu.memory_space<hbm>>
    %dma_wait3A_192 = arith.constant 0 : i32
    %dma_wait3A_193 = tpu.memref_slice %arg4[%add3A_146, %dma_wait3A_192] : memref<16384x64xf32, #tpu.memory_space<hbm>> -> memref<128x64xf32, #tpu.memory_space<hbm>>
    %dma_wait3A_194 = arith.constant 384 : i32
    %dma_wait3A_195 = arith.constant 0 : i32
    %dma_wait3A_196 = tpu.memref_slice %arg6[%dma_wait3A_194, %dma_wait3A_195] : memref<512x64xf32, #tpu.memory_space<vmem>> -> memref<128x64xf32, #tpu.memory_space<vmem>>
    tpu.wait_dma2 semaphore(%arg9 : memref<!tpu.dma_semaphore, #tpu.memory_space<semaphore_mem>>) src(%dma_wait3A_196 : memref<128x64xf32, #tpu.memory_space<vmem>>) dst(%dma_wait3A_193 : memref<128x64xf32, #tpu.memory_space<hbm>>)
    return
  }
}

</mosaic_0001>

<sc_bundles>
// kernel: kernel.3.cloned.1.call-start
scs
__scs_entry_jumppad:
0x0: {  	(pc) =	sbr.rel $0x88, $3  }
0x1: {  	(tag) =	ssettag $0x0;
	lr =	simm.s32 $0x1  }
0x2: {  	[smem:$0x3F9F] =	sst lr;
	_ =	strace $0xD0000000  }
0x3: {  	_ = 	snop  }
0x4: {  	_ = 	snop  }
0x5: {  	_ = 	snop  }
0x6: {  	_ = 	snop  }
0x7: {  	_ = 	snop  }
__scs_overlays_trampoline_lowered:
0x8: {  	[smem:$0x3FAE] =	sst s0  }
0x9: {  	[smem:$0x3FAF] =	sst s1  }
0xa: {  	[smem:$0x3FB0] =	sst s2  }
0xb: {  	[smem:$0x3FB1] =	sst s3  }
0xc: {  	[smem:$0x3FB2] =	sst s4  }
0xd: {  	[smem:$0x3FB3] =	sst s5  }
0xe: {  	[smem:$0x3FB4] =	sst s6  }
0xf: {  	[smem:$0x3FB5] =	sst s7  }
0x10: {  	[smem:$0x3FB6] =	sst s8  }
0x11: {  	[smem:$0x3FB7] =	sst s9;
	s0 =	simm.s32 @!p0 $0x0  }
0x12: {  	s1 =	sld [smem:$0x3F9D];
	s0 =	simm.s32 @p0 $0x1  }
0x13: {  	[smem:$0x3FB8] =	sst s0;
	s0 =	simm.s32 @!p1 $0x0  }
0x14: {  	s2 =	sld [smem:$0x3F9C];
	s0 =	simm.s32 @p1 $0x1  }
0x15: {  	[smem:$0x3FB9] =	sst s0;
	s0 =	simm.s32 @!p2 $0x0  }
0x16: {  	s3 =	sld [smem:$0x3FDB];
	s0 =	simm.s32 @p2 $0x1  }
0x17: {  	s4 =	simm.s32 $0x1BF5;
	[smem:$0x3FBB] =	sst s0  }
0x18: {  	s0 =	sld [smem:$0x3F9E];
	_ =	swait.ge [sflag:s4], $0x0  }
0x19: {  	s7 =	sld [smem:$0x3F9F]  }
0x1a: {  	s8 =	sadd.s32 $0xFFFFE003, lr  }
0x1b: {  	s9 =	sadd.s32 $0xFFFFFEF7, lr;
	s5 =	simm.s32 $0xFFFFFFFF;
	p2 =	slt.u32 s8, $0xFFFFF086  }
0x1c: {  	p1 =	slt.u32 s9, $0xF7A;
	s5 =	simm.s32 @!p2 $0x0  }
0x1d: {  	s5 =	simm.s32 @p1 $0x1;
	p0 =	seq.s32 s7, s2  }
0x1e: {  	s7 =	smul.u32 @!p0 $0xF7A, s2;
	p2 =	seq.s32 @!p0 s5, $0x0  }
0x1f: {  	s9 =	smul.u32 $0xF7A, s1;
	s8 =	simm.s32 @!p0 $0x1BF5;
	p2 =	por !p2, p0  }
0x20: {  	[sflag:s8] =	ssyncset.s32 @!p0 $0xFFFFF086;
	s6 =	sadd.s32 @!p0 s3, s7;
	s7 =	simm.s32 @!p0 $0x108  }
0x21: {  	s3 =	sadd.s32 s3, s9;
	s6 =	sadd.s32 @!p0 $0x88, s6;
	s7 =	simm.s32 @p2 $0x1082  }
0x22: {  	[simem:s7], [sflag:s8] =	dma.local @!p0 [hbm:s6], $0xF7A  }
0x23: {  	s9 =	sor.u32 $0xD0000000, s2;
	s6 =	simm.s32 $0x108;
	_ =	swait.ge @!p0 [sflag:s8], $0x0  }
0x24: {  	s3 =	sadd.s32 $0x88, s3;
	s6 =	simm.s32 @!p1 $0x1082;
	[sflag:s4] =	ssyncset.s32 $0xFFFFF086  }
0x25: {  	[simem:s6], [sflag:s4] =	dma.local [hbm:s3], $0xF7A  }
0x26: {  	[smem:$0x3F9F] =	sst s1;
	(tag) =	ssettag s2;
	_ =	strace s9  }
0x27: {  	s1 =	sld [smem:$0x3FAF]  }
0x28: {  	s2 =	sld [smem:$0x3FB0]  }
0x29: {  	s4 =	sld [smem:$0x3FB2]  }
0x2a: {  	p0 =	seq.s32 s5, $0x0;
	s5 =	sld [smem:$0x3FB3]  }
0x2b: {  	s6 =	sld [smem:$0x3FB4]  }
0x2c: {  	s7 =	sld [smem:$0x3FB5]  }
0x2d: {  	s3 =	simm.s32 $0x108;
	s8 =	sld [smem:$0x3FB6]  }
0x2e: {  	s3 =	simm.s32 @!p0 $0x1082;
	s9 =	sld [smem:$0x3FB7]  }
0x2f: {  	lr =	sadd.s32 s0, s3;
	s0 =	sld [smem:$0x3FAE]  }
0x30: {  	s3 =	sld [smem:$0x3FB1]  }
0x31: {  	[smem:$0x3FBA] =	sst s10  }
0x32: {  	s10 =	sld [smem:$0x3FB8];
	_ =	sdelay $0x3  }
0x33: {  	p0 =	seq.s32 s10, $0x1;
	s10 =	sld [smem:$0x3FBA];
	_ =	sdelay $0x3  }
0x34: {  	[smem:$0x3FBA] =	sst s10  }
0x35: {  	s10 =	sld [smem:$0x3FB9];
	_ =	sdelay $0x3  }
0x36: {  	p1 =	seq.s32 s10, $0x1;
	s10 =	sld [smem:$0x3FBA];
	_ =	sdelay $0x3  }
0x37: {  	[smem:$0x3FBA] =	sst s10  }
0x38: {  	s10 =	sld [smem:$0x3FBB]  }
0x39: {  	_ = 	snop;
	(pc) =	sbr.ind lr, $3  }
0x3a: {  	_ = 	snop  }
0x3b: {  	_ = 	snop  }
0x3c: {  	p2 =	seq.s32 s10, $0x1;
	s10 =	sld [smem:$0x3FBA]  }
0x3d: {  	_ =	shalt  }
0x3e: {  	_ =	shalt  }
0x3f: {  	_ =	shalt  }
0x40: {  	_ =	shalt  }
0x41: {  	_ =	shalt  }
0x42: {  	_ =	shalt  }
0x43: {  	_ =	shalt  }
0x44: {  	_ =	shalt  }
0x45: {  	_ =	shalt  }
0x46: {  	_ =	shalt  }
0x47: {  	_ =	shalt  }
0x48: {  	_ =	shalt  }
0x49: {  	_ =	shalt  }
0x4a: {  	_ =	shalt  }
0x4b: {  	_ =	shalt  }
0x4c: {  	_ =	shalt  }
0x4d: {  	_ =	shalt  }
0x4e: {  	_ =	shalt  }
0x4f: {  	_ =	shalt  }
0x50: {  	_ =	shalt  }
0x51: {  	_ =	shalt  }
0x52: {  	_ =	shalt  }
0x53: {  	_ =	shalt  }
0x54: {  	_ =	shalt  }
0x55: {  	_ =	shalt  }
0x56: {  	_ =	shalt  }
0x57: {  	_ =	shalt  }
0x58: {  	_ =	shalt  }
0x59: {  	_ =	shalt  }
0x5a: {  	_ =	shalt  }
0x5b: {  	_ =	shalt  }
0x5c: {  	_ =	shalt  }
0x5d: {  	_ =	shalt  }
0x5e: {  	_ =	shalt  }
0x5f: {  	_ =	shalt  }
0x60: {  	_ =	shalt  }
0x61: {  	_ =	shalt  }
0x62: {  	_ =	shalt  }
0x63: {  	_ =	shalt  }
0x64: {  	_ =	shalt  }
0x65: {  	_ =	shalt  }
0x66: {  	_ =	shalt  }
0x67: {  	_ =	shalt  }
0x68: {  	_ =	shalt  }
0x69: {  	_ =	shalt  }
0x6a: {  	_ =	shalt  }
0x6b: {  	_ =	shalt  }
0x6c: {  	_ =	shalt  }
0x6d: {  	_ =	shalt  }
0x6e: {  	_ =	shalt  }
0x6f: {  	_ =	shalt  }
0x70: {  	_ =	shalt  }
0x71: {  	_ =	shalt  }
0x72: {  	_ =	shalt  }
0x73: {  	_ =	shalt  }
0x74: {  	_ =	shalt  }
0x75: {  	_ =	shalt  }
0x76: {  	_ =	shalt  }
0x77: {  	_ =	shalt  }
0x78: {  	_ =	shalt  }
0x79: {  	_ =	shalt  }
0x7a: {  	_ =	shalt  }
0x7b: {  	_ =	shalt  }
0x7c: {  	_ =	shalt  }
0x7d: {  	_ =	shalt  }
0x7e: {  	_ =	shalt  }
0x7f: {  	_ =	shalt  }
0x80: {  	_ =	shalt  }
0x81: {  	_ =	shalt  }
0x82: {  	_ =	shalt  }
0x83: {  	_ =	shalt  }
0x84: {  	_ =	shalt  }
0x85: {  	_ =	shalt  }
0x86: {  	_ =	shalt  }
0x87: {  	_ =	shalt  }
.Lfunc_end0:
.L_simem_size_0:
called_computation_lowered:
.L_overlay_start_0:
0x88: {  	s2 =	sld [smem:$0x3FD9]  }
0x89: {  	s3 =	sld [smem:$0x3FFE];
	_ =	sdelay $0x1  }
0x8a: {  	s1 =	srdreg.scid  }
0x8b: {  	s0 =	sand.u32 $0x1, s1  }
0x8c: {  	s17 =	sshll.u32 s0, $0xA;
	s2 =	sadd.s32 s3, s2  }
0x8d: {  	s2 =	sadd.s32 s2, s17  }
0x8e: {  	[smem:$0x3FC6] =	sst s2  }
0x8f: {  	_ = 	snop  }
0x90: {  	s2 =	sld [smem:$0x3FC9]  }
0x91: {  	s18 =	sld [smem:$0x3FD0];
	(tm) =	ssettm $0x1  }
0x92: {  	s4 =	sld [smem:$0x3FFB];
	_ =	sdelay $0x3  }
0x93: {  	_ =	strace s4  }
0x94: {  	s4 =	sld [smem:$0x3FFC];
	_ =	sdelay $0x3  }
0x95: {  	_ =	strace s4  }
0x96: {  	s4 =	sld [smem:$0x3FFD];
	_ =	sdelay $0x3  }
0x97: {  	_ =	strace s4  }
0x98: {  	_ =	strace $0x8FFFFFFF  }
0x99: {  	s19 =	sld [smem:$0x3FDB];
	_ =	sdelay $0x1  }
0x9a: {  	s5 =	simm.s32 $_scs_section_size  }
0x9b: {  	s6 =	simm.s32 $_size__tile_overlayer_lowered;
	s7 =	simm.s32 $_tile_overlayer_lowered  }
0x9c: {  	s22 =	simm.s32 $0x1BFF;
	s21 =	sshll.u32 s7, $0x1;
	s4 =	sadd.s32 s5, s19  }
0x9d: {  	s8 =	simm.s32 $0x0;
	s20 =	sshll.u32 s6, $0x1;
	s6 =	sadd.s32 s21, s4  }
0x9e: {  	[timem:s8], [sflag:s22] =	dma.local [hbm:s6], s20  }
0x9f: {  	_ =	swait.ge [sflag:s22], s20  }
0xa0: {  	s5 =	ssub.s32 $0x0, s20;
	[sflag:s22] =	ssyncset.done $0x0  }
0xa1: {  	[sflag:s22] =	ssyncadd.s32 s5;
	_ =	sdelay $0x1  }
0xa2: {  	s23 =	simm.s32 $0x1B8B  }
0xa3: {  	_ =	swait.ge [sflag:s23], $0x1  }
0xa4: {  	[sflag:s23] =	ssyncset.done $0x0  }
0xa5: {  	s25 =	simm.s32 $0x1B8E;
	s24 =	sld [smem:$0x3FFE];
	[sflag:s23] =	ssyncadd.s32 $0xFFFFFFFF  }
0xa6: {  	s26 =	simm.s32 $execute0_lowered;
	[smem:$0x3FD2] =	sst s25  }
0xa7: {  	s6 =	sshll.u32 s26, $0x1;
	_ =	strace $0x80000046;
	[dreg:$0x1] =	wrdreg $0xFFFFFFFF  }
0xa8: {  	s28 =	simm.s32 $_size_execute0_lowered;
	s4 =	sadd.s32 s4, s6;
	[dreg:$0x0] =	wrdreg $0x0  }
0xa9: {  	s6 =	sshll.u32 s28, $0x1;
	[dreg:$0x2] =	wrdreg s4  }
0xaa: {  	[dreg:$0x3] =	wrdreg s6  }
0xab: {  	[dreg:$0x4] =	wrdreg $0xC0  }
0xac: {  	_ =	task [dreg:s8], $0x5FFFF  }
0xad: {  	[dreg:$0x1] =	wrdreg $0xFFFFFFFF  }
0xae: {  	[dreg:$0x0] =	wrdreg $0x60  }
0xaf: {  	[dreg:$0x2] =	wrdreg s24  }
0xb0: {  	[dreg:$0x3] =	wrdreg s2  }
0xb1: {  	[dreg:$0x4] =	wrdreg s18  }
0xb2: {  	[dreg:$0x5] =	wrdreg $0x82000  }
0xb3: {  	[dreg:$0x6] =	wrdreg $0x9  }
0xb4: {  	_ =	task.clear_ibuf [dreg:s8], $0x7FFFF;
	_ =	strace $0x90000046  }
0xb5: {  	s29 =	simm.s32 $0x9;
	_ =	strace $0x80000048  }
0xb6: {  	_ =	swait.ge [sflag:s29], $0x1  }
0xb7: {  	[sflag:s29] =	ssyncadd.s32 $0xFFFFFFFF  }
0xb8: {  	_ =	strace $0x90000048  }
0xb9: {  	_ =	sfence  }
0xba: {  	s30 =	sld [smem:$0x0];
	_ =	sdelay $0x2  }
0xbb: {  	s31 =	sshll.u32 s1, $0xD;
	s1 =	sshrl.u32 s1, $0x2  }
0xbc: {  	s3 =	sand.u32 $0x4000, s31;
	s1 =	sadd.s32 s1, s30  }
0xbd: {  	s0 =	sor.u32 s3, s0;
	s1 =	sshll.u32 s1, $0x11  }
0xbe: {  	s0 =	sor.u32 s1, s0  }
0xbf: {  	s0 =	sadd.s32 $0x8F2B, s0  }
0xc0: {  	[sflag:s0] =	ssyncadd.remote.s32 $0x1  }
0xc1: {  	_ =	sfence.sel $0xFFFF  }
0xc2: {  	[dreg:$0x0] =	wrdreg $0xFFFFFFFF;
	(pc) =	sbr.abs _section_cstart, $3  }
0xc3: {  	[dreg:$0x1] =	wrdreg $0xFFFFFFFF  }
0xc4: {  	_ =	task.clear_ibuf [dreg:s8], $0x2FFFF;
	_ =	strace $0x9FFFFFFF  }
0xc5: {  	(tm) =	ssettm $0x7FFFFFFF  }
tec
execute0_lowered:
.L_overlay_start_1:
0x0: {  	(tag) =	ssettag $0x1  }
0x1: {  	s3 =	rddreg [dreg:$0x0]  }
0x2: {  	s4 =	rddreg [dreg:$0x1]  }
0x3: {  	s5 =	rddreg [dreg:$0x2]  }
0x4: {  	s2 =	rddreg [dreg:$0x3]  }
0x5: {  	s0 =	rddreg [dreg:$0x4]  }
0x6: {  	s1 =	simm.s32 $0x0;
	s6 =	srdreg.scid;
	s8 =	stileid.u32  }
0x7: {  	s18 =	simm.s32 $0x6;
	s16 =	simm.s32 $0x80;
	s6 =	sand.u32 $0x1, s6  }
0x8: {  	s12 =	simm.s32 $0x200;
	s19 =	simm.s32 $0x100;
	s29 =	ssub.s32 $0x2, s6  }
0x9: {  	s21 =	simm.s32 $0x180;
	s20 =	simm.s32 $0x1;
	s9 =	sshrl.u32 s29, $0x1  }
0xa: {  	s17 =	simm.s32 $0x2;
	s7 =	sshll.u32 s8, $0x1;
	s31 =	ssub.s32 s29, s9  }
0xb: {  	s14 =	simm.s32 $0x3;
	s7 =	sor.u32 s6, s7;
	s6 =	smax.u32 s31, $0x1  }
0xc: {  	s13 =	simm.s32 $0x4;
	p1 =	por $0x0, $0x0;
	s25 =	sadd.s32 $0xFFFFFFFF, s6  }
0xd: {  	[smem:$0x7FF] =	sst s1;
	s11 =	sadd.s32 $0x400, s3;
	p2 =	sne.s32 s25, $0x0  }
.Ltmp0:
0xe: {  	p0 =	sne.s32 s8, $0x0;
	s8 =	simm.s32 $0x6200;
	(pc) =	sbr.rel @!p2 .LBB2_3-.Ltmp0, $4  }
0xf: {  	_ =	strace $0x80000047;
	s30 =	sshll.u32 s7, $0xC;
	s10 =	sshll.u32 s7, $0x6  }
0x10: {  	s22 =	sshrl.u32 @!p0 s2, $0x3;
	s7 =	sadd.s32 s5, s30;
	s15 =	sadd.s32 s4, s10  }
0x11: {  	s10 =	simm.s32 $0x2200;
	s9 =	simm.s32 $0x4200;
	s5 =	sadd.s32 $0x400, s7  }
0x12: {  	s4 =	sadd.s32 $0x800, s7;
	s3 =	sadd.s32 $0xC00, s7;
	s6 =	simm.s32 $0x5  }
0x13: {  	s23 =	simm.s32 @!p0 $0x1C06;
	s24 =	simm.s32 @!p0 $0x6  }
0x14: {  	[spmem:s22], [sflag:s23] =	dma.local @!p0 [hbm:s11], $0x1F40  }
0x15: {  	_ =	swait.ge @!p0 [sflag:s24], $0x1F40  }
0x16: {  	[sflag:s24] =	ssyncset.done @!p0 $0x0  }
0x17: {  	[sflag:s24] =	ssyncadd.s32 @!p0 $0xFFFFE0C0  }
0x18: {  	[tilespmem:s1], [sflag:$0x6] =	stream.linear.gather [hbm4b:s15+s1], $0x200, $0x38;
	[tilespmem:$0x91A0] =	vst v63  }
0x19: {  	_ =	swait.ge [sflag:s18], $0x200  }
0x1a: {  	[sflag:s18] =	ssyncset.done $0x0  }
0x1b: {  	[sflag:s18] =	ssyncadd.s32 $0xFFFFFE00  }
0x1c: {  	[bflag:$0x0] =	sbarrier.arrive $0xFFFF  }
0x1d: {  	[tilespmem:s12], [sflag:$0x1] =	stream.indirect.gather [spmem:s2], $0x40, s1, s16, $0xb8;
	[tilespmem:$0x91A0] =	vst v63  }
0x1e: {  	_ = 	snop  }
0x1f: {  	[tilespmem:s10], [sflag:$0x2] =	stream.indirect.gather [spmem:s2], $0x40, s16, s16, $0xb8;
	[tilespmem:$0x91A0] =	vst v63  }
0x20: {  	_ = 	snop  }
0x21: {  	[tilespmem:s9], [sflag:$0x3] =	stream.indirect.gather [spmem:s2], $0x40, s19, s16, $0xb8;
	[tilespmem:$0x91A0] =	vst v63  }
0x22: {  	_ = 	snop  }
0x23: {  	[tilespmem:s8], [sflag:$0x4] =	stream.indirect.gather [spmem:s2], $0x40, s21, s16, $0xb8;
	[tilespmem:$0x91A0] =	vst v63  }
0x24: {  	_ =	swait.ge [sflag:s20], $0x2000  }
0x25: {  	[sflag:s20] =	ssyncset.done $0x0  }
0x26: {  	[sflag:s20] =	ssyncadd.s32 $0xFFFFE000  }
0x27: {  	[hbm4b:s7+s1] =	stream.linear.scatter [tilespmem:s12], [sflag:$0x5], $0x2000, $0x38;
	[tilespmem:$0x91A0] =	vst v63  }
0x28: {  	_ =	swait.ge [sflag:s17], $0x2000  }
0x29: {  	[sflag:s17] =	ssyncset.done $0x0  }
0x2a: {  	[sflag:s17] =	ssyncadd.s32 $0xFFFFE000  }
0x2b: {  	[hbm4b:s5+s1] =	stream.linear.scatter [tilespmem:s10], [sflag:$0x5], $0x2000, $0x38;
	[tilespmem:$0x91A0] =	vst v63  }
0x2c: {  	_ =	swait.ge [sflag:s14], $0x2000  }
0x2d: {  	[sflag:s14] =	ssyncset.done $0x0  }
0x2e: {  	[sflag:s14] =	ssyncadd.s32 $0xFFFFE000  }
0x2f: {  	[hbm4b:s4+s1] =	stream.linear.scatter [tilespmem:s9], [sflag:$0x5], $0x2000, $0x38;
	[tilespmem:$0x91A0] =	vst v63  }
0x30: {  	_ =	swait.ge [sflag:s13], $0x2000  }
0x31: {  	[sflag:s13] =	ssyncset.done $0x0  }
0x32: {  	[sflag:s13] =	ssyncadd.s32 $0xFFFFE000  }
0x33: {  	[hbm4b:s3+s1] =	stream.linear.scatter [tilespmem:s8], [sflag:$0x5], $0x2000, $0x38;
	[tilespmem:$0x91A0] =	vst v63  }
0x34: {  	_ =	swait.ge [sflag:s6], $0x2000  }
0x35: {  	[sflag:s6] =	ssyncset.done $0x0  }
0x36: {  	[sflag:s6] =	ssyncadd.s32 $0xFFFFE000  }
0x37: {  	_ =	swait.ge [sflag:s6], $0x2000  }
0x38: {  	s25 =	sadd.s32 $0xFFFFFFFF, s25;
	[sflag:s6] =	ssyncset.done $0x0  }
0x39: {  	p2 =	sne.s32 s25, $0x0;
	[sflag:s6] =	ssyncadd.s32 $0xFFFFE000  }
.Ltmp1:
0x3a: {  	_ =	swait.ge [sflag:s6], $0x2000;
	(pc) =	sbr.rel @!p2 .LBB2_3-.Ltmp1, $4  }
0x3b: {  	[sflag:s6] =	ssyncset.done $0x0  }
0x3c: {  	[sflag:s6] =	ssyncadd.s32 $0xFFFFE000  }
0x3d: {  	_ =	swait.ge [sflag:s6], $0x2000  }
0x3e: {  	p1 =	por $0x1, $0x1;
	[sflag:s6] =	ssyncset.done $0x0  }
.LBB2_2:
0x3f: {  	[sflag:s6] =	ssyncadd.s32 $0xFFFFE000  }
0x40: {  	[spmem:s22], [sflag:s23] =	dma.local @!p0 [hbm:s11], $0x1F40  }
0x41: {  	s25 =	sadd.s32 $0xFFFFFFFF, s25;
	_ =	swait.ge @!p0 [sflag:s24], $0x1F40  }
0x42: {  	p2 =	sne.s32 s25, $0x0;
	[sflag:s24] =	ssyncset.done @!p0 $0x0  }
0x43: {  	[sflag:s24] =	ssyncadd.s32 @!p0 $0xFFFFE0C0  }
0x44: {  	[tilespmem:s1], [sflag:$0x6] =	stream.linear.gather [hbm4b:s15+s1], $0x200, $0x38;
	[tilespmem:$0x91A0] =	vst v63  }
0x45: {  	_ =	swait.ge [sflag:s18], $0x200  }
0x46: {  	[sflag:s18] =	ssyncset.done $0x0  }
0x47: {  	[sflag:s18] =	ssyncadd.s32 $0xFFFFFE00  }
0x48: {  	[bflag:$0x0] =	sbarrier.arrive $0xFFFF  }
0x49: {  	[tilespmem:s12], [sflag:$0x1] =	stream.indirect.gather [spmem:s2], $0x40, s1, s16, $0xb8;
	[tilespmem:$0x91A0] =	vst v63  }
0x4a: {  	_ = 	snop  }
0x4b: {  	[tilespmem:s10], [sflag:$0x2] =	stream.indirect.gather [spmem:s2], $0x40, s16, s16, $0xb8;
	[tilespmem:$0x91A0] =	vst v63  }
0x4c: {  	_ = 	snop  }
0x4d: {  	[tilespmem:s9], [sflag:$0x3] =	stream.indirect.gather [spmem:s2], $0x40, s19, s16, $0xb8;
	[tilespmem:$0x91A0] =	vst v63  }
0x4e: {  	_ = 	snop  }
0x4f: {  	[tilespmem:s8], [sflag:$0x4] =	stream.indirect.gather [spmem:s2], $0x40, s21, s16, $0xb8;
	[tilespmem:$0x91A0] =	vst v63  }
0x50: {  	_ =	swait.ge [sflag:s20], $0x2000  }
0x51: {  	[sflag:s20] =	ssyncset.done $0x0  }
0x52: {  	[sflag:s20] =	ssyncadd.s32 $0xFFFFE000  }
0x53: {  	[hbm4b:s7+s1] =	stream.linear.scatter [tilespmem:s12], [sflag:$0x5], $0x2000, $0x38;
	[tilespmem:$0x91A0] =	vst v63  }
0x54: {  	_ =	swait.ge [sflag:s17], $0x2000  }
0x55: {  	[sflag:s17] =	ssyncset.done $0x0  }
0x56: {  	[sflag:s17] =	ssyncadd.s32 $0xFFFFE000  }
0x57: {  	[hbm4b:s5+s1] =	stream.linear.scatter [tilespmem:s10], [sflag:$0x5], $0x2000, $0x38;
	[tilespmem:$0x91A0] =	vst v63  }
0x58: {  	_ =	swait.ge [sflag:s14], $0x2000  }
0x59: {  	[sflag:s14] =	ssyncset.done $0x0  }
0x5a: {  	[sflag:s14] =	ssyncadd.s32 $0xFFFFE000  }
0x5b: {  	[hbm4b:s4+s1] =	stream.linear.scatter [tilespmem:s9], [sflag:$0x5], $0x2000, $0x38;
	[tilespmem:$0x91A0] =	vst v63  }
0x5c: {  	_ =	swait.ge [sflag:s13], $0x2000  }
0x5d: {  	[sflag:s13] =	ssyncset.done $0x0  }
0x5e: {  	[sflag:s13] =	ssyncadd.s32 $0xFFFFE000  }
0x5f: {  	[hbm4b:s3+s1] =	stream.linear.scatter [tilespmem:s8], [sflag:$0x5], $0x2000, $0x38;
	[tilespmem:$0x91A0] =	vst v63  }
0x60: {  	_ =	swait.ge [sflag:s6], $0x2000  }
0x61: {  	[sflag:s6] =	ssyncset.done $0x0  }
0x62: {  	[sflag:s6] =	ssyncadd.s32 $0xFFFFE000  }
0x63: {  	_ =	swait.ge [sflag:s6], $0x2000  }
0x64: {  	[sflag:s6] =	ssyncset.done $0x0  }
0x65: {  	[sflag:s6] =	ssyncadd.s32 $0xFFFFE000  }
.Ltmp2:
0x66: {  	_ =	swait.ge [sflag:s6], $0x2000;
	(pc) =	sbr.rel @p2 .LBB2_2-.Ltmp2, $4  }
0x67: {  	[sflag:s6] =	ssyncset.done $0x0  }
0x68: {  	[sflag:s6] =	ssyncadd.s32 $0xFFFFE000  }
0x69: {  	_ =	swait.ge [sflag:s6], $0x2000  }
0x6a: {  	[sflag:s6] =	ssyncset.done $0x0  }
.LBB2_3:
0x6b: {  	s23 =	simm.s32 @!p0 $0x1C06;
	s24 =	simm.s32 @!p0 $0x6;
	[sflag:s6] =	ssyncadd.s32 @p1 $0xFFFFE000  }
0x6c: {  	[spmem:s22], [sflag:s23] =	dma.local @!p0 [hbm:s11], $0x1F40  }
0x6d: {  	_ =	swait.ge @!p0 [sflag:s24], $0x1F40  }
0x6e: {  	[sflag:s24] =	ssyncset.done @!p0 $0x0  }
0x6f: {  	[sflag:s24] =	ssyncadd.s32 @!p0 $0xFFFFE0C0  }
0x70: {  	[tilespmem:s1], [sflag:$0x6] =	stream.linear.gather [hbm4b:s15+s1], $0x200, $0x38;
	[tilespmem:$0x91A0] =	vst v63  }
0x71: {  	_ =	swait.ge [sflag:s18], $0x200  }
0x72: {  	[sflag:s18] =	ssyncset.done $0x0  }
0x73: {  	[sflag:s18] =	ssyncadd.s32 $0xFFFFFE00  }
0x74: {  	[bflag:$0x0] =	sbarrier.arrive $0xFFFF  }
0x75: {  	[tilespmem:s12], [sflag:$0x1] =	stream.indirect.gather [spmem:s2], $0x40, s1, s16, $0xb8;
	[tilespmem:$0x91A0] =	vst v63  }
0x76: {  	_ = 	snop  }
0x77: {  	[tilespmem:s10], [sflag:$0x2] =	stream.indirect.gather [spmem:s2], $0x40, s16, s16, $0xb8;
	[tilespmem:$0x91A0] =	vst v63  }
0x78: {  	_ = 	snop  }
0x79: {  	[tilespmem:s9], [sflag:$0x3] =	stream.indirect.gather [spmem:s2], $0x40, s19, s16, $0xb8;
	[tilespmem:$0x91A0] =	vst v63  }
0x7a: {  	_ = 	snop  }
0x7b: {  	[tilespmem:s8], [sflag:$0x4] =	stream.indirect.gather [spmem:s2], $0x40, s21, s16, $0xb8;
	[tilespmem:$0x91A0] =	vst v63  }
0x7c: {  	_ =	swait.ge [sflag:s20], $0x2000  }
0x7d: {  	[sflag:s20] =	ssyncset.done $0x0  }
0x7e: {  	[sflag:s20] =	ssyncadd.s32 $0xFFFFE000  }
0x7f: {  	[hbm4b:s7+s1] =	stream.linear.scatter [tilespmem:s12], [sflag:$0x5], $0x2000, $0x38;
	[tilespmem:$0x91A0] =	vst v63  }
0x80: {  	_ =	swait.ge [sflag:s17], $0x2000  }
0x81: {  	[sflag:s17] =	ssyncset.done $0x0  }
0x82: {  	[sflag:s17] =	ssyncadd.s32 $0xFFFFE000  }
0x83: {  	[hbm4b:s5+s1] =	stream.linear.scatter [tilespmem:s10], [sflag:$0x5], $0x2000, $0x38;
	[tilespmem:$0x91A0] =	vst v63  }
0x84: {  	_ =	swait.ge [sflag:s14], $0x2000  }
0x85: {  	[sflag:s14] =	ssyncset.done $0x0  }
0x86: {  	[sflag:s14] =	ssyncadd.s32 $0xFFFFE000  }
0x87: {  	[hbm4b:s4+s1] =	stream.linear.scatter [tilespmem:s9], [sflag:$0x5], $0x2000, $0x38;
	[tilespmem:$0x91A0] =	vst v63  }
0x88: {  	_ =	swait.ge [sflag:s13], $0x2000  }
0x89: {  	[sflag:s13] =	ssyncset.done $0x0  }
0x8a: {  	[sflag:s13] =	ssyncadd.s32 $0xFFFFE000  }
0x8b: {  	[hbm4b:s3+s1] =	stream.linear.scatter [tilespmem:s8], [sflag:$0x5], $0x2000, $0x38;
	[tilespmem:$0x91A0] =	vst v63  }
0x8c: {  	_ =	swait.ge [sflag:s6], $0x2000  }
0x8d: {  	[sflag:s6] =	ssyncset.done $0x0  }
0x8e: {  	[sflag:s6] =	ssyncadd.s32 $0xFFFFE000  }
0x8f: {  	_ =	swait.ge [sflag:s6], $0x2000  }
0x90: {  	[sflag:s6] =	ssyncset.done $0x0  }
0x91: {  	[sflag:s6] =	ssyncadd.s32 $0xFFFFE000  }
0x92: {  	_ =	swait.ge [sflag:s6], $0x2000  }
0x93: {  	[sflag:s6] =	ssyncset.done $0x0  }
0x94: {  	[sflag:s6] =	ssyncadd.s32 $0xFFFFE000  }
0x95: {  	_ =	swait.ge [sflag:s6], $0x2000  }
0x96: {  	[sflag:s6] =	ssyncset.done $0x0  }
0x97: {  	[sflag:s6] =	ssyncadd.s32 $0xFFFFE000  }
0x98: {  	_ =	sfence.sel $0x180000  }
0x99: {  	[bflag:$0x0] =	sbarrier.arrive $0xFFFF  }
0x9a: {  	_ =	strace $0x90000047  }
0x9b: {  	s0 =	sadd.s32 @!p0 $0x100000, s0;
	[bflag:$0x2] =	sbarrier.arrive $0xFFFF  }
0x9c: {  	[sflag:s0] =	ssyncadd.tile.s32 @!p0 $0x1;
	_ =	shalt  }
.Lfunc_end2:
_tile_overlayer_lowered:
.L_overlay_start_2:
0x9d: {  	(tag) =	ssettag $0x2  }
0x9e: {  	s0 =	rddreg [dreg:$0x0];
	s2 =	stileid.u32  }
0x9f: {  	s1 =	rddreg [dreg:$0x1];
	p0 =	sne.s32 s2, $0x0  }
0xa0: {  	s3 =	rddreg [dreg:$0x2];
	[bflag:$0x3] =	sbarrier.arrive $0xFFFF;
	s2 =	simm.s32 @!p0 $0x1C06  }
0xa1: {  	[timem:s3], [sflag:s2] =	dma.local @!p0 [hbm:s0], s1  }
0xa2: {  	s0 =	simm.s32 @!p0 $0x6  }
0xa3: {  	_ =	swait.ge @!p0 [sflag:s0], s1  }
0xa4: {  	s1 =	ssub.s32 @!p0 $0x0, s1;
	[sflag:s0] =	ssyncset.done @!p0 $0x0  }
0xa5: {  	[sflag:s0] =	ssyncadd.s32 @!p0 s1  }
0xa6: {  	[bflag:$0x3] =	sbarrier.arrive $0xFFFF  }
0xa7: {  	_ =	shalt  }

</sc_bundles>
